<compile_context>
chip_gen: v7x
topology: tpu7x:2x2x1
jax: 0.10.2.dev20260603
libtpu: 0.0.44.dev20260713+nightly
codegen_flags: <defaults>
</compile_context>

<pallas_src>
import numpy as np
import jax
import jax.numpy as jnp
from jax.experimental import pallas as pl
from jax.experimental.pallas import tpu as pltpu

N_FFT = 4096
N_FREQ = N_FFT // 2 + 1
TOP_K = 32
F_PAD = 2176
N_FB = 8
N_TB = 8
BISECT_ITERS = 30


def _make_tables(n, n_freq, f_pad):
    t = np.arange(n)
    f = np.arange(f_pad)
    ph = (np.outer(f, t) % n) * (2.0 * np.pi / n)
    cos = np.cos(ph)
    sin = np.sin(ph)
    cos[n_freq:] = 0.0
    sin[n_freq:] = 0.0
    w = np.full((f_pad, 1), 2.0 / n)
    w[0, 0] = 1.0 / n
    if n % 2 == 0 and n // 2 < f_pad:
        w[n // 2, 0] = 1.0 / n
    w[n_freq:] = 0.0
    icos = np.ascontiguousarray((cos * w).T)
    isin = np.ascontiguousarray((sin * w).T)
    return (cos.astype(np.float32), sin.astype(np.float32),
            icos.astype(np.float32), isin.astype(np.float32))


def _fwd_kernel(cos_ref, sin_ref, x_ref, re_ref, s_ref):
    xb = x_ref[0]
    dn = (((1,), (0,)), ((), ()))
    re_ref[0] = jax.lax.dot_general(
        cos_ref[...], xb, dn, precision=jax.lax.Precision.HIGHEST,
        preferred_element_type=jnp.float32)
    s_ref[0] = jax.lax.dot_general(
        sin_ref[...], xb, dn, precision=jax.lax.Precision.HIGHEST,
        preferred_element_type=jnp.float32)


def _make_mask_kernel(top_k):
    def _mask_kernel(re_ref, s_ref, mre_ref, ms_ref):
        re = re_ref[0]
        s = s_ref[0]
        mag = re * re + s * s
        hi = jnp.max(mag, axis=0, keepdims=True)
        lo = jnp.full_like(hi, -1.0)

        def body(_, carry):
            lo, hi = carry
            mid = 0.5 * (lo + hi)
            cnt = jnp.sum((mag > mid).astype(jnp.float32), axis=0,
                          keepdims=True)
            big = cnt >= top_k
            return jnp.where(big, mid, lo), jnp.where(big, hi, mid)

        lo, hi = jax.lax.fori_loop(0, BISECT_ITERS, body, (lo, hi))
        keep = mag > lo
        mre_ref[0] = jnp.where(keep, re, 0.0).astype(jnp.bfloat16)
        ms_ref[0] = jnp.where(keep, s, 0.0).astype(jnp.bfloat16)
    return _mask_kernel


def _inv_kernel(icos_ref, isin_ref, mre_ref, ms_ref, x_ref, xf_ref, res_ref):
    dn = (((1,), (0,)), ((), ()))
    acc = jax.lax.dot_general(icos_ref[...], mre_ref[0], dn,
                              preferred_element_type=jnp.float32)
    acc = acc + jax.lax.dot_general(isin_ref[...], ms_ref[0], dn,
                                    preferred_element_type=jnp.float32)
    xf_ref[0] = acc
    res_ref[0] = x_ref[0] - acc


def _pipeline(xp, cos, sin, icos, isin, top_k, interpret=False):
    bp, n, cp = xp.shape
    f_pad = cos.shape[0]
    fb = f_pad // N_FB
    tb = n // N_TB

    re, s = pl.pallas_call(
        _fwd_kernel,
        grid=(N_FB, bp),
        in_specs=[
            pl.BlockSpec((fb, n), lambda i, j: (i, 0)),
            pl.BlockSpec((fb, n), lambda i, j: (i, 0)),
            pl.BlockSpec((1, n, cp), lambda i, j: (j, 0, 0)),
        ],
        out_specs=[
            pl.BlockSpec((1, fb, cp), lambda i, j: (j, i, 0)),
            pl.BlockSpec((1, fb, cp), lambda i, j: (j, i, 0)),
        ],
        out_shape=[jax.ShapeDtypeStruct((bp, f_pad, cp), jnp.float32)] * 2,
        interpret=interpret,
    )(cos, sin, xp)

    mre, ms = pl.pallas_call(
        _make_mask_kernel(top_k),
        grid=(bp,),
        in_specs=[pl.BlockSpec((1, f_pad, cp), lambda i: (i, 0, 0))] * 2,
        out_specs=[pl.BlockSpec((1, f_pad, cp), lambda i: (i, 0, 0))] * 2,
        out_shape=[jax.ShapeDtypeStruct((bp, f_pad, cp), jnp.bfloat16)] * 2,
        interpret=interpret,
    )(re, s)

    xf, res = pl.pallas_call(
        _inv_kernel,
        grid=(N_TB, bp),
        in_specs=[
            pl.BlockSpec((tb, f_pad), lambda i, j: (i, 0)),
            pl.BlockSpec((tb, f_pad), lambda i, j: (i, 0)),
            pl.BlockSpec((1, f_pad, cp), lambda i, j: (j, 0, 0)),
            pl.BlockSpec((1, f_pad, cp), lambda i, j: (j, 0, 0)),
            pl.BlockSpec((1, tb, cp), lambda i, j: (j, i, 0)),
        ],
        out_specs=[pl.BlockSpec((1, tb, cp), lambda i, j: (j, i, 0))] * 2,
        out_shape=[jax.ShapeDtypeStruct((bp, n, cp), jnp.float32)] * 2,
        interpret=interpret,
    )(icos.astype(jnp.bfloat16), isin.astype(jnp.bfloat16), mre, ms, xp)
    return xf, res


_COS, _SIN, _ICOS, _ISIN = _make_tables(N_FFT, N_FREQ, F_PAD)


def kernel(x):
    b, n, c = x.shape
    bp = b // 2
    xp = x.reshape(2, bp, n, c).transpose(1, 2, 0, 3).reshape(bp, n, 2 * c)
    xf, res = _pipeline(xp, jnp.asarray(_COS), jnp.asarray(_SIN),
                        jnp.asarray(_ICOS), jnp.asarray(_ISIN), TOP_K)

    def unpair(y):
        return (y.reshape(bp, n, 2, c).transpose(2, 0, 1, 3)
                .reshape(b, n, c))

    return unpair(xf), unpair(res)

# --- scband reference (transcript-rebuilt; emitter-appended) ---
"""Pipeline reference for scband-series-decomp-fft-55035710931538 (READ-ONLY COPY).

The authoritative reference and input builder live on the scoring server;
editing this copy changes nothing except your own understanding.
"""

import jax, jax.numpy as jnp
import numpy as np

FFT_LEN = 4096
TOP_K = 32

def setup_inputs(seed: int = 0) -> dict:
    key = jax.random.key(seed)
    x = jax.random.normal(key, (32, 4096, 128), dtype=jnp.float32)
    return {"x": x}

def reference(x):
    # rfft along time axis (dim=1)
    xf = jnp.fft.rfft(x, n=FFT_LEN, axis=1)  # [B, F, C] complex64
    mag = jnp.abs(xf)                          # [B, F, C]
    # top-k along freq axis: move freq to last axis for lax.top_k
    mag_t = jnp.moveaxis(mag, 1, -1)           # [B, C, F]
    _, idx = jax.lax.top_k(mag_t, TOP_K)       # idx: [B, C, K]
    B, C, Fr = mag_t.shape
    b = jnp.arange(B)[:, None, None]
    c = jnp.arange(C)[None, :, None]
    mask_t = jnp.zeros((B, C, Fr), dtype=jnp.float32).at[b, c, idx].set(1.0)
    mask = jnp.moveaxis(mask_t, -1, 1)         # [B, F, C]
    xf_filtered = xf * mask
    x_filtered = jnp.fft.irfft(xf_filtered, n=x.shape[1], axis=1).astype(jnp.float32)
    norm_input = x - x_filtered
    return (x_filtered, norm_input)

if __name__ == "__main__":
    import jax
    _d = setup_inputs()
    print(jax.jit(kernel)(*tuple(_d.values())))

</pallas_src>

<mosaic_0001>
module attributes {stable_mosaic.version = 14 : i64} {
  func.func @_fwd_kernel(%arg0: i32, %arg1: i32, %arg2: memref<272x4096xf32, #tpu.memory_space<vmem>>, %arg3: memref<272x4096xf32, #tpu.memory_space<vmem>>, %arg4: memref<1x4096x256xf32, #tpu.memory_space<vmem>>, %arg5: memref<1x272x256xf32, #tpu.memory_space<vmem>>, %arg6: memref<1x272x256xf32, #tpu.memory_space<vmem>>) attributes {dimension_semantics = [#tpu.dimension_semantics<arbitrary>, #tpu.dimension_semantics<arbitrary>], iteration_bounds = array<i64: 8, 16>, scalar_prefetch = 0 : i64, scratch_operands = 0 : i64, tpu.core_type = #tpu.core_type<tc>, window_params = [{transform_indices = @transform_0, window_bounds = array<i64: 272, 4096>}, {transform_indices = @transform_1, window_bounds = array<i64: 272, 4096>}, {transform_indices = @transform_2, window_bounds = array<i64: 1, 4096, 256>}, {transform_indices = @transform_3, window_bounds = array<i64: 1, 272, 256>}, {transform_indices = @transform_4, window_bounds = array<i64: 1, 272, 256>}]} {
    %get3A = arith.constant 0 : index
    %get3A_0 = arith.constant 0 : index
    %get3A_1 = arith.constant 0 : index
    %get3A_2 = vector.load %arg4[%get3A, %get3A_0, %get3A_1] : memref<1x4096x256xf32, #tpu.memory_space<vmem>>, vector<1x4096x256xf32>
    %get3A_3 = vector.shape_cast %get3A_2 : vector<1x4096x256xf32> to vector<4096x256xf32>
    %get3A_4 = arith.constant 0 : index
    %get3A_5 = arith.constant 0 : index
    %get3A_6 = vector.load %arg2[%get3A_4, %get3A_5] : memref<272x4096xf32, #tpu.memory_space<vmem>>, vector<272x4096xf32>
    %dot_general3A = arith.constant dense<0.000000e+00> : vector<272x256xf32>
    %dot_general3A_7 = tpu.matmul %get3A_6, %get3A_3, %dot_general3A {dimension_numbers = #tpu.dot_dimension_numbers<[1], [0], [0], [1], [0, 0, 1, 1], [], []>, precision = #tpu.contract_precision<fp32>, transpose_lhs_hint = false} : vector<272x4096xf32>, vector<4096x256xf32>, vector<272x256xf32> -> vector<272x256xf32>
    %swap3A = arith.constant 0 : index
    %swap3A_8 = arith.constant 0 : index
    %swap3A_9 = arith.constant 0 : index
    %swap3A_10 = vector.load %arg5[%swap3A, %swap3A_8, %swap3A_9] : memref<1x272x256xf32, #tpu.memory_space<vmem>>, vector<1x272x256xf32>
    %swap3A_11 = vector.shape_cast %swap3A_10 : vector<1x272x256xf32> to vector<272x256xf32>
    %swap3A_12 = vector.shape_cast %dot_general3A_7 : vector<272x256xf32> to vector<1x272x256xf32>
    tpu.vector_store %arg5[%swap3A, %swap3A_8, %swap3A_9], %swap3A_12 {strides = array<i32>} : memref<1x272x256xf32, #tpu.memory_space<vmem>>, vector<1x272x256xf32>,
    %get3A_13 = arith.constant 0 : index
    %get3A_14 = arith.constant 0 : index
    %get3A_15 = vector.load %arg3[%get3A_13, %get3A_14] : memref<272x4096xf32, #tpu.memory_space<vmem>>, vector<272x4096xf32>
    %dot_general3A_16 = arith.constant dense<0.000000e+00> : vector<272x256xf32>
    %dot_general3A_17 = tpu.matmul %get3A_15, %get3A_3, %dot_general3A_16 {dimension_numbers = #tpu.dot_dimension_numbers<[1], [0], [0], [1], [0, 0, 1, 1], [], []>, precision = #tpu.contract_precision<fp32>, transpose_lhs_hint = false} : vector<272x4096xf32>, vector<4096x256xf32>, vector<272x256xf32> -> vector<272x256xf32>
    %swap3A_18 = arith.constant 0 : index
    %swap3A_19 = arith.constant 0 : index
    %swap3A_20 = arith.constant 0 : index
    %swap3A_21 = vector.load %arg6[%swap3A_18, %swap3A_19, %swap3A_20] : memref<1x272x256xf32, #tpu.memory_space<vmem>>, vector<1x272x256xf32>
    %swap3A_22 = vector.shape_cast %swap3A_21 : vector<1x272x256xf32> to vector<272x256xf32>
    %swap3A_23 = vector.shape_cast %dot_general3A_17 : vector<272x256xf32> to vector<1x272x256xf32>
    tpu.vector_store %arg6[%swap3A_18, %swap3A_19, %swap3A_20], %swap3A_23 {strides = array<i32>} : memref<1x272x256xf32, #tpu.memory_space<vmem>>, vector<1x272x256xf32>,
    return
  }
  func.func @transform_0(%arg0: i32, %arg1: i32) -> (i32, i32) {
    %c0_i32 = arith.constant 0 : i32
    %c0_i32_0 = arith.constant 0 : i32
    return %arg0, %c0_i32 : i32, i32
  }
  func.func @transform_1(%arg0: i32, %arg1: i32) -> (i32, i32) {
    %c0_i32 = arith.constant 0 : i32
    %c0_i32_0 = arith.constant 0 : i32
    return %arg0, %c0_i32 : i32, i32
  }
  func.func @transform_2(%arg0: i32, %arg1: i32) -> (i32, i32, i32) {
    %c0_i32 = arith.constant 0 : i32
    %c0_i32_0 = arith.constant 0 : i32
    %c0_i32_1 = arith.constant 0 : i32
    return %arg1, %c0_i32, %c0_i32_0 : i32, i32, i32
  }
  func.func @transform_3(%arg0: i32, %arg1: i32) -> (i32, i32, i32) {
    %c0_i32 = arith.constant 0 : i32
    %c0_i32_0 = arith.constant 0 : i32
    return %arg1, %arg0, %c0_i32 : i32, i32, i32
  }
  func.func @transform_4(%arg0: i32, %arg1: i32) -> (i32, i32, i32) {
    %c0_i32 = arith.constant 0 : i32
    %c0_i32_0 = arith.constant 0 : i32
    return %arg1, %arg0, %c0_i32 : i32, i32, i32
  }
}

module attributes {stable_mosaic.version = 14 : i64} {
  func.func @_mask_kernel(%arg0: i32, %arg1: memref<1x2176x256xf32, #tpu.memory_space<vmem>>, %arg2: memref<1x2176x256xf32, #tpu.memory_space<vmem>>, %arg3: memref<1x2176x256xbf16, #tpu.memory_space<vmem>>, %arg4: memref<1x2176x256xbf16, #tpu.memory_space<vmem>>) attributes {dimension_semantics = [#tpu.dimension_semantics<arbitrary>], iteration_bounds = array<i64: 16>, scalar_prefetch = 0 : i64, scratch_operands = 0 : i64, tpu.core_type = #tpu.core_type<tc>, window_params = [{transform_indices = @transform_0, window_bounds = array<i64: 1, 2176, 256>}, {transform_indices = @transform_1, window_bounds = array<i64: 1, 2176, 256>}, {transform_indices = @transform_2, window_bounds = array<i64: 1, 2176, 256>}, {transform_indices = @transform_3, window_bounds = array<i64: 1, 2176, 256>}]} {
    %get3A = arith.constant 0 : index
    %get3A_0 = arith.constant 0 : index
    %get3A_1 = arith.constant 0 : index
    %get3A_2 = vector.load %arg1[%get3A, %get3A_0, %get3A_1] : memref<1x2176x256xf32, #tpu.memory_space<vmem>>, vector<1x2176x256xf32>
    %get3A_3 = vector.shape_cast %get3A_2 : vector<1x2176x256xf32> to vector<2176x256xf32>
    %get3A_4 = arith.constant 0 : index
    %get3A_5 = arith.constant 0 : index
    %get3A_6 = arith.constant 0 : index
    %get3A_7 = vector.load %arg2[%get3A_4, %get3A_5, %get3A_6] : memref<1x2176x256xf32, #tpu.memory_space<vmem>>, vector<1x2176x256xf32>
    %get3A_8 = vector.shape_cast %get3A_7 : vector<1x2176x256xf32> to vector<2176x256xf32>
    %mul3A = arith.mulf %get3A_3, %get3A_3 : vector<2176x256xf32>
    %mul3A_9 = arith.mulf %get3A_8, %get3A_8 : vector<2176x256xf32>
    %add3A = arith.addf %mul3A, %mul3A_9 : vector<2176x256xf32>
    %reduce_max3A = arith.constant dense<0xFF800000> : vector<256xf32>
    %reduce_max3A_10 = vector.multi_reduction <maximumf>, %add3A, %reduce_max3A [0] : vector<2176x256xf32> to vector<256xf32>
    %broadcast_in_dim3A = vector.shape_cast %reduce_max3A_10 : vector<256xf32> to vector<1x256xf32>
    %broadcast_in_dim3A_11 = arith.constant -1.000000e+00 : f32
    %broadcast_in_dim3A_12 = vector.broadcast %broadcast_in_dim3A_11 : f32 to vector<1x256xf32>
    %scan3A = arith.constant 0 : i32
    %scan3A_13 = arith.constant 30 : i32
    %scan3A_14 = arith.addi %scan3A, %scan3A_13 : i32
    %scan3A_15 = arith.constant 1 : i32
    %scan3A_16:2 = scf.for %scan3A_34 = %scan3A to %scan3A_14 step %scan3A_15 iter_args(%scan3A_35 = %broadcast_in_dim3A_12, %scan3A_36 = %broadcast_in_dim3A) -> (vector<1x256xf32>, vector<1x256xf32>)  : i32 {
      %add3A_37 = arith.addf %scan3A_35, %scan3A_36 : vector<1x256xf32>
      %mul3A_38 = arith.constant 5.000000e-01 : f32
      %mul3A_39 = vector.broadcast %mul3A_38 : f32 to vector<1x256xf32>
      %mul3A_40 = arith.mulf %mul3A_39, %add3A_37 : vector<1x256xf32>
      %gt3A_41 = vector.broadcast %mul3A_40 : vector<1x256xf32> to vector<2176x256xf32>
      %gt3A_42 = arith.cmpf ogt, %add3A, %gt3A_41 : vector<2176x256xf32>
      %convert_element_type3A_43 = arith.extui %gt3A_42 : vector<2176x256xi1> to vector<2176x256xi32>
      %convert_element_type3A_44 = arith.sitofp %convert_element_type3A_43 : vector<2176x256xi32> to vector<2176x256xf32>
      %reduce_sum3A = arith.constant dense<0.000000e+00> : vector<256xf32>
      %reduce_sum3A_45 = vector.multi_reduction <add>, %convert_element_type3A_44, %reduce_sum3A [0] : vector<2176x256xf32> to vector<256xf32>
      %broadcast_in_dim3A_46 = vector.shape_cast %reduce_sum3A_45 : vector<256xf32> to vector<1x256xf32>
      %ge3A = arith.constant 3.200000e+01 : f32
      %ge3A_47 = vector.broadcast %ge3A : f32 to vector<1x256xf32>
      %ge3A_48 = arith.cmpf oge, %broadcast_in_dim3A_46, %ge3A_47 : vector<1x256xf32>
      %select_n3A_49 = arith.select %ge3A_48, %mul3A_40, %scan3A_35 : vector<1x256xi1>, vector<1x256xf32>
      %select_n3A_50 = arith.select %ge3A_48, %scan3A_36, %mul3A_40 : vector<1x256xi1>, vector<1x256xf32>
      scf.yield %select_n3A_49, %select_n3A_50 : vector<1x256xf32>, vector<1x256xf32>
    }
    %gt3A = vector.broadcast %scan3A_16#0 : vector<1x256xf32> to vector<2176x256xf32>
    %gt3A_17 = arith.cmpf ogt, %add3A, %gt3A : vector<2176x256xf32>
    %jit3A = arith.constant 0.000000e+00 : f32
    %broadcast_in_dim3A_18 = vector.broadcast %jit3A : f32 to vector<2176x256xf32>
    %select_n3A = arith.select %gt3A_17, %get3A_3, %broadcast_in_dim3A_18 : vector<2176x256xi1>, vector<2176x256xf32>
    %convert_element_type3A = arith.truncf %select_n3A : vector<2176x256xf32> to vector<2176x256xbf16>
    %swap3A = arith.constant 0 : index
    %swap3A_19 = arith.constant 0 : index
    %swap3A_20 = arith.constant 0 : index
    %swap3A_21 = vector.load %arg3[%swap3A, %swap3A_19, %swap3A_20] : memref<1x2176x256xbf16, #tpu.memory_space<vmem>>, vector<1x2176x256xbf16>
    %swap3A_22 = vector.shape_cast %swap3A_21 : vector<1x2176x256xbf16> to vector<2176x256xbf16>
    %swap3A_23 = vector.shape_cast %convert_element_type3A : vector<2176x256xbf16> to vector<1x2176x256xbf16>
    tpu.vector_store %arg3[%swap3A, %swap3A_19, %swap3A_20], %swap3A_23 {strides = array<i32>} : memref<1x2176x256xbf16, #tpu.memory_space<vmem>>, vector<1x2176x256xbf16>,
    %jit3A_24 = arith.constant 0.000000e+00 : f32
    %broadcast_in_dim3A_25 = vector.broadcast %jit3A_24 : f32 to vector<2176x256xf32>
    %select_n3A_26 = arith.select %gt3A_17, %get3A_8, %broadcast_in_dim3A_25 : vector<2176x256xi1>, vector<2176x256xf32>
    %convert_element_type3A_27 = arith.truncf %select_n3A_26 : vector<2176x256xf32> to vector<2176x256xbf16>
    %swap3A_28 = arith.constant 0 : index
    %swap3A_29 = arith.constant 0 : index
    %swap3A_30 = arith.constant 0 : index
    %swap3A_31 = vector.load %arg4[%swap3A_28, %swap3A_29, %swap3A_30] : memref<1x2176x256xbf16, #tpu.memory_space<vmem>>, vector<1x2176x256xbf16>
    %swap3A_32 = vector.shape_cast %swap3A_31 : vector<1x2176x256xbf16> to vector<2176x256xbf16>
    %swap3A_33 = vector.shape_cast %convert_element_type3A_27 : vector<2176x256xbf16> to vector<1x2176x256xbf16>
    tpu.vector_store %arg4[%swap3A_28, %swap3A_29, %swap3A_30], %swap3A_33 {strides = array<i32>} : memref<1x2176x256xbf16, #tpu.memory_space<vmem>>, vector<1x2176x256xbf16>,
    return
  }
  func.func @transform_0(%arg0: i32) -> (i32, i32, i32) {
    %c0_i32 = arith.constant 0 : i32
    %c0_i32_0 = arith.constant 0 : i32
    %c0_i32_1 = arith.constant 0 : i32
    return %arg0, %c0_i32, %c0_i32_0 : i32, i32, i32
  }
  func.func @transform_1(%arg0: i32) -> (i32, i32, i32) {
    %c0_i32 = arith.constant 0 : i32
    %c0_i32_0 = arith.constant 0 : i32
    %c0_i32_1 = arith.constant 0 : i32
    return %arg0, %c0_i32, %c0_i32_0 : i32, i32, i32
  }
  func.func @transform_2(%arg0: i32) -> (i32, i32, i32) {
    %c0_i32 = arith.constant 0 : i32
    %c0_i32_0 = arith.constant 0 : i32
    %c0_i32_1 = arith.constant 0 : i32
    return %arg0, %c0_i32, %c0_i32_0 : i32, i32, i32
  }
  func.func @transform_3(%arg0: i32) -> (i32, i32, i32) {
    %c0_i32 = arith.constant 0 : i32
    %c0_i32_0 = arith.constant 0 : i32
    %c0_i32_1 = arith.constant 0 : i32
    return %arg0, %c0_i32, %c0_i32_0 : i32, i32, i32
  }
}

module attributes {stable_mosaic.version = 14 : i64} {
  func.func @_inv_kernel(%arg0: i32, %arg1: i32, %arg2: memref<512x2176xbf16, #tpu.memory_space<vmem>>, %arg3: memref<512x2176xbf16, #tpu.memory_space<vmem>>, %arg4: memref<1x2176x256xbf16, #tpu.memory_space<vmem>>, %arg5: memref<1x2176x256xbf16, #tpu.memory_space<vmem>>, %arg6: memref<1x512x256xf32, #tpu.memory_space<vmem>>, %arg7: memref<1x512x256xf32, #tpu.memory_space<vmem>>, %arg8: memref<1x512x256xf32, #tpu.memory_space<vmem>>) attributes {dimension_semantics = [#tpu.dimension_semantics<arbitrary>, #tpu.dimension_semantics<arbitrary>], iteration_bounds = array<i64: 8, 16>, scalar_prefetch = 0 : i64, scratch_operands = 0 : i64, tpu.core_type = #tpu.core_type<tc>, window_params = [{transform_indices = @transform_0, window_bounds = array<i64: 512, 2176>}, {transform_indices = @transform_1, window_bounds = array<i64: 512, 2176>}, {transform_indices = @transform_2, window_bounds = array<i64: 1, 2176, 256>}, {transform_indices = @transform_3, window_bounds = array<i64: 1, 2176, 256>}, {transform_indices = @transform_4, window_bounds = array<i64: 1, 512, 256>}, {transform_indices = @transform_5, window_bounds = array<i64: 1, 512, 256>}, {transform_indices = @transform_6, window_bounds = array<i64: 1, 512, 256>}]} {
    %get3A = arith.constant 0 : index
    %get3A_0 = arith.constant 0 : index
    %get3A_1 = vector.load %arg2[%get3A, %get3A_0] : memref<512x2176xbf16, #tpu.memory_space<vmem>>, vector<512x2176xbf16>
    %get3A_2 = arith.constant 0 : index
    %get3A_3 = arith.constant 0 : index
    %get3A_4 = arith.constant 0 : index
    %get3A_5 = vector.load %arg4[%get3A_2, %get3A_3, %get3A_4] : memref<1x2176x256xbf16, #tpu.memory_space<vmem>>, vector<1x2176x256xbf16>
    %get3A_6 = vector.shape_cast %get3A_5 : vector<1x2176x256xbf16> to vector<2176x256xbf16>
    %dot_general3A = arith.constant dense<0.000000e+00> : vector<512x256xf32>
    %dot_general3A_7 = tpu.matmul %get3A_1, %get3A_6, %dot_general3A {dimension_numbers = #tpu.dot_dimension_numbers<[1], [0], [0], [1], [0, 0, 1, 1], [], []>, transpose_lhs_hint = false} : vector<512x2176xbf16>, vector<2176x256xbf16>, vector<512x256xf32> -> vector<512x256xf32>
    %get3A_8 = arith.constant 0 : index
    %get3A_9 = arith.constant 0 : index
    %get3A_10 = vector.load %arg3[%get3A_8, %get3A_9] : memref<512x2176xbf16, #tpu.memory_space<vmem>>, vector<512x2176xbf16>
    %get3A_11 = arith.constant 0 : index
    %get3A_12 = arith.constant 0 : index
    %get3A_13 = arith.constant 0 : index
    %get3A_14 = vector.load %arg5[%get3A_11, %get3A_12, %get3A_13] : memref<1x2176x256xbf16, #tpu.memory_space<vmem>>, vector<1x2176x256xbf16>
    %get3A_15 = vector.shape_cast %get3A_14 : vector<1x2176x256xbf16> to vector<2176x256xbf16>
    %dot_general3A_16 = arith.constant dense<0.000000e+00> : vector<512x256xf32>
    %dot_general3A_17 = tpu.matmul %get3A_10, %get3A_15, %dot_general3A_16 {dimension_numbers = #tpu.dot_dimension_numbers<[1], [0], [0], [1], [0, 0, 1, 1], [], []>, transpose_lhs_hint = false} : vector<512x2176xbf16>, vector<2176x256xbf16>, vector<512x256xf32> -> vector<512x256xf32>
    %add3A = arith.addf %dot_general3A_7, %dot_general3A_17 : vector<512x256xf32>
    %swap3A = arith.constant 0 : index
    %swap3A_18 = arith.constant 0 : index
    %swap3A_19 = arith.constant 0 : index
    %swap3A_20 = vector.load %arg7[%swap3A, %swap3A_18, %swap3A_19] : memref<1x512x256xf32, #tpu.memory_space<vmem>>, vector<1x512x256xf32>
    %swap3A_21 = vector.shape_cast %swap3A_20 : vector<1x512x256xf32> to vector<512x256xf32>
    %swap3A_22 = vector.shape_cast %add3A : vector<512x256xf32> to vector<1x512x256xf32>
    tpu.vector_store %arg7[%swap3A, %swap3A_18, %swap3A_19], %swap3A_22 {strides = array<i32>} : memref<1x512x256xf32, #tpu.memory_space<vmem>>, vector<1x512x256xf32>,
    %get3A_23 = arith.constant 0 : index
    %get3A_24 = arith.constant 0 : index
    %get3A_25 = arith.constant 0 : index
    %get3A_26 = vector.load %arg6[%get3A_23, %get3A_24, %get3A_25] : memref<1x512x256xf32, #tpu.memory_space<vmem>>, vector<1x512x256xf32>
    %get3A_27 = vector.shape_cast %get3A_26 : vector<1x512x256xf32> to vector<512x256xf32>
    %sub3A = arith.subf %get3A_27, %add3A : vector<512x256xf32>
    %swap3A_28 = arith.constant 0 : index
    %swap3A_29 = arith.constant 0 : index
    %swap3A_30 = arith.constant 0 : index
    %swap3A_31 = vector.load %arg8[%swap3A_28, %swap3A_29, %swap3A_30] : memref<1x512x256xf32, #tpu.memory_space<vmem>>, vector<1x512x256xf32>
    %swap3A_32 = vector.shape_cast %swap3A_31 : vector<1x512x256xf32> to vector<512x256xf32>
    %swap3A_33 = vector.shape_cast %sub3A : vector<512x256xf32> to vector<1x512x256xf32>
    tpu.vector_store %arg8[%swap3A_28, %swap3A_29, %swap3A_30], %swap3A_33 {strides = array<i32>} : memref<1x512x256xf32, #tpu.memory_space<vmem>>, vector<1x512x256xf32>,
    return
  }
  func.func @transform_0(%arg0: i32, %arg1: i32) -> (i32, i32) {
    %c0_i32 = arith.constant 0 : i32
    %c0_i32_0 = arith.constant 0 : i32
    return %arg0, %c0_i32 : i32, i32
  }
  func.func @transform_1(%arg0: i32, %arg1: i32) -> (i32, i32) {
    %c0_i32 = arith.constant 0 : i32
    %c0_i32_0 = arith.constant 0 : i32
    return %arg0, %c0_i32 : i32, i32
  }
  func.func @transform_2(%arg0: i32, %arg1: i32) -> (i32, i32, i32) {
    %c0_i32 = arith.constant 0 : i32
    %c0_i32_0 = arith.constant 0 : i32
    %c0_i32_1 = arith.constant 0 : i32
    return %arg1, %c0_i32, %c0_i32_0 : i32, i32, i32
  }
  func.func @transform_3(%arg0: i32, %arg1: i32) -> (i32, i32, i32) {
    %c0_i32 = arith.constant 0 : i32
    %c0_i32_0 = arith.constant 0 : i32
    %c0_i32_1 = arith.constant 0 : i32
    return %arg1, %c0_i32, %c0_i32_0 : i32, i32, i32
  }
  func.func @transform_4(%arg0: i32, %arg1: i32) -> (i32, i32, i32) {
    %c0_i32 = arith.constant 0 : i32
    %c0_i32_0 = arith.constant 0 : i32
    return %arg1, %arg0, %c0_i32 : i32, i32, i32
  }
  func.func @transform_5(%arg0: i32, %arg1: i32) -> (i32, i32, i32) {
    %c0_i32 = arith.constant 0 : i32
    %c0_i32_0 = arith.constant 0 : i32
    return %arg1, %arg0, %c0_i32 : i32, i32, i32
  }
  func.func @transform_6(%arg0: i32, %arg1: i32) -> (i32, i32, i32) {
    %c0_i32 = arith.constant 0 : i32
    %c0_i32_0 = arith.constant 0 : i32
    return %arg1, %arg0, %c0_i32 : i32, i32, i32
  }
}

</mosaic_0001>

<sc_bundles>
// kernel: sparse-core-data-format-call.1.cloned.1.call-start
scs
called_computation.1_lowered:
.L_overlay_start_0:
0x0: {  	s2 =	sld [smem:$0x3FD9]  }
0x1: {  	s3 =	sld [smem:$0x3FFE];
	_ =	sdelay $0x1  }
0x2: {  	s1 =	srdreg.scid  }
0x3: {  	s0 =	sand.u32 $0x1, s1  }
0x4: {  	s16 =	sshll.u32 s0, $0xA;
	s2 =	sadd.s32 s3, s2  }
0x5: {  	s2 =	sadd.s32 s2, s16  }
0x6: {  	[smem:$0x3FC7] =	sst s2  }
0x7: {  	_ = 	snop  }
0x8: {  	s2 =	sld [smem:$0x3FD0];
	_ =	sdelay $0x2  }
0x9: {  	s17 =	simm.s32 $0xB;
	s4 =	simm.s32 $0x10  }
0xa: {  	[smem:s4], [sflag:s17] =	dma.local [hbm:s2], $0x1  }
0xb: {  	_ =	swait.eq [sflag:s17], $0x1  }
0xc: {  	[sflag:s17] =	ssyncset.done $0x0  }
0xd: {  	[sflag:s17] =	ssyncadd.s32 $0xFFFFFFFF  }
0xe: {  	s18 =	sld [smem:$0x10];
	(tm) =	ssettm $0x1  }
0xf: {  	s19 =	sld [smem:$0x3FFB];
	_ =	sdelay $0x3  }
0x10: {  	_ =	strace s19  }
0x11: {  	s2 =	sld [smem:$0x3FFC];
	_ =	sdelay $0x3  }
0x12: {  	_ =	strace s2  }
0x13: {  	s2 =	sld [smem:$0x3FFD];
	_ =	sdelay $0x3  }
0x14: {  	_ =	strace s2  }
0x15: {  	_ =	strace $0x8FFFFFFF  }
0x16: {  	s20 =	sld [smem:$0x3FDB];
	_ =	sdelay $0x1  }
0x17: {  	s21 =	simm.s32 $_scs_section_size  }
0x18: {  	s5 =	simm.s32 $_size__tile_overlayer_lowered;
	s6 =	simm.s32 $_tile_overlayer_lowered  }
0x19: {  	s7 =	simm.s32 $0x1BFF;
	s22 =	sshll.u32 s6, $0x1;
	s4 =	sadd.s32 s21, s20  }
0x1a: {  	s23 =	simm.s32 $0x0;
	s5 =	sshll.u32 s5, $0x1;
	s6 =	sadd.s32 s22, s4  }
0x1b: {  	[timem:s23], [sflag:s7] =	dma.local [hbm:s6], s5  }
0x1c: {  	_ =	swait.ge [sflag:s7], s5  }
0x1d: {  	s5 =	ssub.s32 $0x0, s5;
	[sflag:s7] =	ssyncset.done $0x0  }
0x1e: {  	[sflag:s7] =	ssyncadd.s32 s5;
	_ =	sdelay $0x1  }
0x1f: {  	s24 =	simm.s32 $0x1B8B  }
0x20: {  	_ =	swait.ge [sflag:s24], $0x1  }
0x21: {  	[sflag:s24] =	ssyncset.done $0x0  }
0x22: {  	[sflag:s24] =	ssyncadd.s32 $0xFFFFFFFF  }
0x23: {  	s5 =	sld [smem:$0x0]  }
0x24: {  	s6 =	sand.u32 $0xFFFFFFFE, s1  }
0x25: {  	p0 =	sne.s32 s1, s6  }
0x26: {  	s6 =	sshll.u32 @p0 s6, $0xE  }
0x27: {  	s6 =	sadd.s32 @p0 $0x11B8D, s6;
	s7 =	sshll.u32 @p0 s5, $0x11  }
0x28: {  	s6 =	sor.u32 @p0 s7, s6  }
0x29: {  	[sflag:s6] =	ssyncadd.remote.s32 @p0 $0x1;
	_ =	sdelay $0x1  }
0x2a: {  	s6 =	simm.s32 @p0 $0x1B8D  }
0x2b: {  	_ =	swait.eq @p0 [sflag:s6], $0x1  }
0x2c: {  	[sflag:s6] =	ssyncadd.s32 @p0 $0xFFFFFFFF  }
0x2d: {  	s7 =	sshll.u32 @!p0 s1, $0xE  }
0x2e: {  	s7 =	sor.u32 @!p0 $0x4000, s7;
	s6 =	simm.s32 @!p0 $0x1B8D  }
0x2f: {  	s5 =	sshll.u32 @!p0 s5, $0x11;
	s7 =	sadd.s32 @!p0 $0x11B8D, s7;
	_ =	swait.eq @!p0 [sflag:s6], $0x1  }
0x30: {  	s5 =	sor.u32 @!p0 s5, s7;
	[sflag:s6] =	ssyncadd.s32 @!p0 $0xFFFFFFFF  }
0x31: {  	s26 =	simm.s32 $0x1B8E;
	s25 =	sld [smem:$0x3FFE];
	[sflag:s5] =	ssyncadd.remote.s32 @!p0 $0x1  }
0x32: {  	s27 =	simm.s32 $execute0_lowered;
	[smem:$0x3FD2] =	sst s26  }
0x33: {  	s6 =	sshll.u32 s27, $0x1;
	_ =	strace $0x8000004C;
	[dreg:$0x1] =	wrdreg $0xFFFFFFFF  }
0x34: {  	s28 =	simm.s32 $_size_execute0_lowered;
	s4 =	sadd.s32 s4, s6;
	[dreg:$0x0] =	wrdreg $0x0  }
0x35: {  	s6 =	sshll.u32 s28, $0x1;
	[dreg:$0x2] =	wrdreg s4  }
0x36: {  	[dreg:$0x3] =	wrdreg s6  }
0x37: {  	[dreg:$0x4] =	wrdreg $0xC0  }
0x38: {  	_ =	task [dreg:s23], $0x5FFFF  }
0x39: {  	[dreg:$0x1] =	wrdreg $0xFFFFFFFF  }
0x3a: {  	[dreg:$0x0] =	wrdreg $0x60  }
0x3b: {  	[dreg:$0x2] =	wrdreg s25  }
0x3c: {  	[dreg:$0x3] =	wrdreg s18  }
0x3d: {  	[dreg:$0x4] =	wrdreg $0xA  }
0x3e: {  	_ =	task.clear_ibuf [dreg:s23], $0x5FFFF;
	_ =	strace $0x9000004C  }
0x3f: {  	s29 =	simm.s32 $0xA;
	_ =	strace $0x8000004E  }
0x40: {  	_ =	swait.ge [sflag:s29], $0x1  }
0x41: {  	[sflag:s29] =	ssyncadd.s32 $0xFFFFFFFF  }
0x42: {  	_ =	strace $0x9000004E  }
0x43: {  	_ =	sfence  }
0x44: {  	s30 =	sld [smem:$0x0];
	_ =	sdelay $0x2  }
0x45: {  	s31 =	sshll.u32 s1, $0xD;
	s1 =	sshrl.u32 s1, $0x2  }
0x46: {  	s4 =	sand.u32 $0x4000, s31;
	s1 =	sadd.s32 s1, s30  }
0x47: {  	s0 =	sor.u32 s4, s0;
	s1 =	sshll.u32 s1, $0x11  }
0x48: {  	s0 =	sor.u32 s1, s0  }
0x49: {  	s0 =	sadd.s32 $0x8F2B, s0  }
0x4a: {  	[sflag:s0] =	ssyncadd.remote.s32 $0x1  }
0x4b: {  	_ =	sfence.sel $0xFFFF  }
0x4c: {  	[dreg:$0x0] =	wrdreg $0xFFFFFFFF;
	(pc) =	sbr.abs _section_cstart, $3  }
0x4d: {  	[dreg:$0x1] =	wrdreg $0xFFFFFFFF  }
0x4e: {  	_ =	task.clear_ibuf [dreg:s23], $0x2FFFF;
	_ =	strace $0x9FFFFFFF  }
0x4f: {  	(tm) =	ssettm $0x7FFFFFFF  }
tec
execute0_lowered:
.L_overlay_start_1:
0x0: {  	(tag) =	ssettag $0x1  }
0x1: {  	s3 =	rddreg [dreg:$0x0]  }
0x2: {  	s0 =	srdreg.scid;
	s1 =	rddreg [dreg:$0x1]  }
0x3: {  	s5 =	simm.s32 $0x1;
	s7 =	simm.s32 $0x2;
	s13 =	simm.s32 $0x0  }
0x4: {  	s8 =	simm.s32 $0x2000;
	s9 =	simm.s32 $0x800000;
	s0 =	sshll.u32 s0, $0x6  }
0x5: {  	s14 =	simm.s32 $0x0;
	s11 =	stileid.u32;
	s2 =	sand.u32 $0x40, s0  }
.Ltmp0:
0x6: {  	s12 =	simm.s32 $0x0;
	s6 =	ssub.s32 $0x1000, s2;
	(pc) =	sbr.rel .LBB1_1-.Ltmp0, $4  }
0x7: {  	s4 =	sadd.s32 $0x201800, s3;
	s0 =	rddreg [dreg:$0x2];
	s31 =	sshrl.u32 s6, $0x6  }
0x8: {  	_ =	strace $0x8000004D;
	s6 =	sshrl.u32 s6, $0x7;
	s3 =	sand.u32 $0x1, s31  }
0x9: {  	[sflag:s5] =	ssyncpa.u1 $0x0;
	s10 =	smov.u32 s2;
	s6 =	sadd.s32 s6, s3  }
0xa: {  	[sflag:s7] =	ssyncpa.u1 $0x0;
	s3 =	stileid.u32;
	s7 =	sadd.s32 $0x1, s6  }
.LBB1_7:
0xb: {  	s15 =	sadd.s32 $0x80, s10  }
0xc: {  	s13 =	sadd.s32 $0x10, s11;
	s17 =	smov.u32 s11;
	p1 =	sgt.s32 s15, $0xFFF  }
0xd: {  	s17 =	smov.u32 @p1 s13  }
0xe: {  	s15 =	smov.u32 @p1 s2;
	p1 =	sgt.s32 s17, $0xF  }
0xf: {  	s17 =	smov.u32 @p1 s3;
	p1 =	sne.s32 s12, s7  }
.Ltmp1:
0x10: {  	p0 =	slt.u32 s12, $0x2;
	(pc) =	sbr.rel @!p1 .LBB1_8-.Ltmp1, $4  }
0x11: {  	s16 =	simm.s32 @!p0 $0x2  }
0x12: {  	s14 =	smov.u32 s11;
	_ =	swait.ge @!p0 [sflag:s16], $0x4000  }
0x13: {  	s13 =	smov.u32 s10;
	[sflag:s16] =	ssyncset.done @!p0 $0x0;
	s10 =	smov.u32 s15  }
0x14: {  	s12 =	sadd.s32 $0x1, s12;
	[sflag:s16] =	ssyncadd.s32 @!p0 $0xFFFFC000;
	s11 =	smov.u32 s17  }
.LBB1_1:
0x15: {  	p0 =	sge.u32 s12, s6  }
0x16: {  	s31 =	sadd.s32 $0xFFFFFFFF, s12;
	s15 =	sxor.u32 @!p0 $0xFFFFFFFF, s12;
	s16 =	sshll.u32 @!p0 s11, $0x11  }
0x17: {  	s17 =	sshll.u32 @!p0 s10, $0x5;
	s15 =	sshll.u32 @!p0 s15, $0xE;
	s16 =	sadd.s32 @!p0 s4, s16  }
0x18: {  	s15 =	sand.u32 @!p0 $0x4000, s15;
	s16 =	sadd.s32 @!p0 s17, s16;
	s17 =	simm.s32 @!p0 $0x0  }
0x19: {  	[tilespmem:s15], [sflag:$0x1] =	stream.linear.gather @!p0 [hbm4b:s16+s17], $0x4000, $0x38;
	[tilespmem:$0x10000] =	vst v63  }
0x1a: {  	p0 =	sge.u32 s31, s6  }
.Ltmp2:
0x1b: {  	_ = 	snop;
	(pc) =	sbr.rel @p0 .LBB1_7-.Ltmp2, $1  }
0x1c: {  	_ =	sdelay $0x3  }
0x1d: {  	_ =	swait.ge [sflag:s5], $0x4000;
	s15 =	sshll.u32 s12, $0xE  }
0x1e: {  	[sflag:s5] =	ssyncset.done $0x0;
	s16 =	sand.u32 $0x4000, s15  }
0x1f: {  	s17 =	simm.s32 $0x0;
	[sflag:s5] =	ssyncadd.s32 $0xFFFFC000;
	s15 =	sor.u32 $0x8000, s16  }
.LBB1_3:
0x20: {  	s18 =	sshll.u32 s17, $0x8  }
0x21: {  	s18 =	sand.u32 $0x3FFFFF00, s18  }
0x22: {  	s19 =	sshll.u32 s17, $0x7;
	s18 =	sadd.s32 s18, s16  }
0x23: {  	s19 =	sand.u32 $0x3FFFFF80, s19;
	v0 =	vmov s18  }
0x24: {  	s19 =	sadd.s32 s19, s15  }
0x25: {  	p0 =	por $0x1, $0x1;
	v1 =	vmov s19;
	s18 =	simm.s32 $0x0  }
.LBB1_4:
0x26: {  	s19 =	sshll.u32 s18, $0x7  }
0x27: {  	s19 =	sand.u32 $0x3FFFFF80, s19  }
0x28: {  	v2 =	vld.idx.msk [tilespmem:v0+s19+$0x0 ss:$0x1], $0xffff  }
0x29: {  	v3 =	vld.idx.msk [tilespmem:v0+s19+$0x10 ss:$0x1], $0xffff  }
0x2a: {  	v4 =	vld.idx.msk [tilespmem:v0+s19+$0x20 ss:$0x1], $0xffff  }
0x2b: {  	s31 =	sshll.u32 s18, $0xD;
	v5 =	vld.idx.msk [tilespmem:v0+s19+$0x30 ss:$0x1], $0xffff  }
0x2c: {  	s18 =	sand.u32 $0x3FFFE000, s31;
	v6 =	vld.idx.msk [tilespmem:v0+s19+$0x40 ss:$0x1], $0xffff  }
0x2d: {  	v63 =	vld.idx.msk [tilespmem:v0+s19+$0x70 ss:$0x1], $0xffff;
	[tilespmem:v1+s18+$0x0 ss:$0x1] =	vst.idx.msk $0xffff, v2  }
0x2e: {  	v2 =	vld.idx.msk [tilespmem:v0+s19+$0x50 ss:$0x1], $0xffff;
	[tilespmem:v1+s18+$0x10 ss:$0x1] =	vst.idx.msk $0xffff, v3  }
0x2f: {  	p1 =	por p0, p0;
	v3 =	vld.idx.msk [tilespmem:v0+s19+$0x60 ss:$0x1], $0xffff;
	[tilespmem:v1+s18+$0x20 ss:$0x1] =	vst.idx.msk $0xffff, v4  }
.Ltmp3:
0x30: {  	[tilespmem:v1+s18+$0x30 ss:$0x1] =	vst.idx.msk $0xffff, v5;
	(pc) =	sbr.rel @p1 .LBB1_4-.Ltmp3, $4  }
0x31: {  	[tilespmem:v1+s18+$0x40 ss:$0x1] =	vst.idx.msk $0xffff, v6  }
0x32: {  	[tilespmem:v1+s18+$0x70 ss:$0x1] =	vst.idx.msk $0xffff, v63  }
0x33: {  	[tilespmem:v1+s18+$0x50 ss:$0x1] =	vst.idx.msk $0xffff, v2  }
0x34: {  	p0 =	por $0x0, $0x0;
	[tilespmem:v1+s18+$0x60 ss:$0x1] =	vst.idx.msk $0xffff, v3;
	s18 =	simm.s32 $0x1  }
0x35: {  	s17 =	sadd.s32 $0x1, s17  }
0x36: {  	p0 =	sne.s32 s17, $0x40  }
.Ltmp4:
0x37: {  	_ = 	snop;
	(pc) =	sbr.rel @p0 .LBB1_3-.Ltmp4, $1  }
0x38: {  	_ =	sdelay $0x3  }
.Ltmp5:
0x39: {  	(pc) =	sbr.rel .LBB1_7-.Ltmp5, $4  }
0x3a: {  	s14 =	sshll.u32 s14, $0x10;
	s13 =	sshll.u32 s13, $0x4  }
0x3b: {  	s13 =	sand.u32 $0xFFF0, s13;
	s14 =	sadd.s32 s1, s14  }
0x3c: {  	s13 =	sadd.s32 s13, s14  }
0x3d: {  	[hbm4b:s13+s8] =	stream.strided.scatter [tilespmem:s15], [sflag:$0x2], $0x4000, s9, s8, $0x38;
	[tilespmem:$0x10000] =	vst v63  }
.LBB1_8:
0x3e: {  	_ =	sfence.sel $0x180000  }
0x3f: {  	s1 =	simm.s32 $0x1;
	[bflag:$0x0] =	sbarrier.arrive $0xFFFF  }
0x40: {  	s31 =	simm.s32 $0x2;
	[sflag:s1] =	ssyncpa.u1 $0x1  }
0x41: {  	[sflag:s31] =	ssyncpa.u1 $0x1  }
0x42: {  	p0 =	sne.s32 s3, $0x0;
	_ =	strace $0x9000004D  }
0x43: {  	s0 =	sadd.s32 @!p0 $0x100000, s0;
	[bflag:$0x2] =	sbarrier.arrive $0xFFFF  }
0x44: {  	[sflag:s0] =	ssyncadd.tile.s32 @!p0 $0x1;
	_ =	shalt  }
.Lfunc_end1:
_tile_overlayer_lowered:
.L_overlay_start_2:
0x45: {  	(tag) =	ssettag $0x2  }
0x46: {  	s0 =	rddreg [dreg:$0x0];
	s2 =	stileid.u32  }
0x47: {  	s1 =	rddreg [dreg:$0x1];
	p0 =	sne.s32 s2, $0x0  }
0x48: {  	s3 =	rddreg [dreg:$0x2];
	[bflag:$0x3] =	sbarrier.arrive $0xFFFF;
	s2 =	simm.s32 @!p0 $0x1C01  }
0x49: {  	[timem:s3], [sflag:s2] =	dma.local @!p0 [hbm:s0], s1  }
0x4a: {  	s0 =	simm.s32 @!p0 $0x1  }
0x4b: {  	_ =	swait.ge @!p0 [sflag:s0], s1  }
0x4c: {  	s1 =	ssub.s32 @!p0 $0x0, s1;
	[sflag:s0] =	ssyncset.done @!p0 $0x0  }
0x4d: {  	[sflag:s0] =	ssyncadd.s32 @!p0 s1  }
0x4e: {  	[bflag:$0x3] =	sbarrier.arrive $0xFFFF  }
0x4f: {  	_ =	shalt  }

// kernel: sparse-core-data-format-call.2.cloned.1.call-start
scs
called_computation.2_lowered:
.L_overlay_start_0:
0x0: {  	s2 =	sld [smem:$0x3FD9]  }
0x1: {  	s3 =	sld [smem:$0x3FFE];
	_ =	sdelay $0x1  }
0x2: {  	s1 =	srdreg.scid  }
0x3: {  	s0 =	sand.u32 $0x1, s1  }
0x4: {  	s16 =	sshll.u32 s0, $0xA;
	s2 =	sadd.s32 s3, s2  }
0x5: {  	s2 =	sadd.s32 s2, s16  }
0x6: {  	[smem:$0x3FC7] =	sst s2  }
0x7: {  	_ = 	snop  }
0x8: {  	s2 =	sld [smem:$0x3FD0];
	_ =	sdelay $0x2  }
0x9: {  	s4 =	simm.s32 $0xB;
	s5 =	simm.s32 $0x10;
	s17 =	sld [smem:$0x3FC9]  }
0xa: {  	[smem:s5], [sflag:s4] =	dma.local [hbm:s2], $0x1  }
0xb: {  	_ =	swait.eq [sflag:s4], $0x1  }
0xc: {  	[sflag:s4] =	ssyncset.done $0x0  }
0xd: {  	[sflag:s4] =	ssyncadd.s32 $0xFFFFFFFF  }
0xe: {  	s18 =	sld [smem:$0x10];
	(tm) =	ssettm $0x1  }
0xf: {  	s19 =	sld [smem:$0x3FFB];
	_ =	sdelay $0x3  }
0x10: {  	_ =	strace s19  }
0x11: {  	s4 =	sld [smem:$0x3FFC];
	_ =	sdelay $0x3  }
0x12: {  	_ =	strace s4  }
0x13: {  	s4 =	sld [smem:$0x3FFD];
	_ =	sdelay $0x3  }
0x14: {  	_ =	strace s4  }
0x15: {  	_ =	strace $0x8FFFFFFF  }
0x16: {  	s20 =	sld [smem:$0x3FDB];
	_ =	sdelay $0x1  }
0x17: {  	s21 =	simm.s32 $_scs_section_size  }
0x18: {  	s6 =	simm.s32 $_size__tile_overlayer_lowered;
	s7 =	simm.s32 $_tile_overlayer_lowered  }
0x19: {  	s24 =	simm.s32 $0x1BFF;
	s23 =	sshll.u32 s7, $0x1;
	s4 =	sadd.s32 s21, s20  }
0x1a: {  	s8 =	simm.s32 $0x0;
	s22 =	sshll.u32 s6, $0x1;
	s6 =	sadd.s32 s23, s4  }
0x1b: {  	[timem:s8], [sflag:s24] =	dma.local [hbm:s6], s22  }
0x1c: {  	_ =	swait.ge [sflag:s24], s22  }
0x1d: {  	s5 =	ssub.s32 $0x0, s22;
	[sflag:s24] =	ssyncset.done $0x0  }
0x1e: {  	[sflag:s24] =	ssyncadd.s32 s5;
	_ =	sdelay $0x1  }
0x1f: {  	s25 =	simm.s32 $0x1B8B  }
0x20: {  	_ =	swait.ge [sflag:s25], $0x1  }
0x21: {  	[sflag:s25] =	ssyncset.done $0x0  }
0x22: {  	s26 =	simm.s32 $0x1B8E;
	[sflag:s25] =	ssyncadd.s32 $0xFFFFFFFF  }
0x23: {  	s27 =	simm.s32 $execute0_lowered;
	[smem:$0x3FD2] =	sst s26  }
0x24: {  	s5 =	sshll.u32 s27, $0x1;
	_ =	strace $0x80000046;
	[dreg:$0x1] =	wrdreg $0xFFFFFFFF  }
0x25: {  	s28 =	simm.s32 $_size_execute0_lowered;
	s4 =	sadd.s32 s4, s5;
	[dreg:$0x0] =	wrdreg $0x0  }
0x26: {  	s5 =	sshll.u32 s28, $0x1;
	[dreg:$0x2] =	wrdreg s4  }
0x27: {  	[dreg:$0x3] =	wrdreg s5  }
0x28: {  	[dreg:$0x4] =	wrdreg $0xC0  }
0x29: {  	_ =	task [dreg:s8], $0x5FFFF  }
0x2a: {  	[dreg:$0x1] =	wrdreg $0xFFFFFFFF  }
0x2b: {  	[dreg:$0x0] =	wrdreg $0x60  }
0x2c: {  	[dreg:$0x2] =	wrdreg s17  }
0x2d: {  	[dreg:$0x3] =	wrdreg s18  }
0x2e: {  	[dreg:$0x4] =	wrdreg $0x9  }
0x2f: {  	_ =	task.clear_ibuf [dreg:s8], $0x5FFFF;
	_ =	strace $0x90000046  }
0x30: {  	s29 =	simm.s32 $0x9;
	_ =	strace $0x80000048  }
0x31: {  	_ =	swait.ge [sflag:s29], $0x1  }
0x32: {  	[sflag:s29] =	ssyncadd.s32 $0xFFFFFFFF  }
0x33: {  	_ =	strace $0x90000048  }
0x34: {  	_ =	sfence  }
0x35: {  	s30 =	sld [smem:$0x0];
	_ =	sdelay $0x2  }
0x36: {  	s31 =	sshll.u32 s1, $0xD;
	s1 =	sshrl.u32 s1, $0x2  }
0x37: {  	s3 =	sand.u32 $0x4000, s31;
	s1 =	sadd.s32 s1, s30  }
0x38: {  	s0 =	sor.u32 s3, s0;
	s1 =	sshll.u32 s1, $0x11  }
0x39: {  	s0 =	sor.u32 s1, s0  }
0x3a: {  	s0 =	sadd.s32 $0x8F2B, s0  }
0x3b: {  	[sflag:s0] =	ssyncadd.remote.s32 $0x1  }
0x3c: {  	_ =	sfence.sel $0xFFFF  }
0x3d: {  	[dreg:$0x0] =	wrdreg $0xFFFFFFFF;
	(pc) =	sbr.abs _section_cstart, $3  }
0x3e: {  	[dreg:$0x1] =	wrdreg $0xFFFFFFFF  }
0x3f: {  	_ =	task.clear_ibuf [dreg:s8], $0x2FFFF;
	_ =	strace $0x9FFFFFFF  }
0x40: {  	(tm) =	ssettm $0x7FFFFFFF  }
0x41: {  	_ =	shalt  }
tec
execute0_lowered:
.L_overlay_start_1:
0x0: {  	(tag) =	ssettag $0x1  }
0x1: {  	s2 =	rddreg [dreg:$0x0];
	s0 =	srdreg.scid  }
0x2: {  	s3 =	rddreg [dreg:$0x1];
	s1 =	stileid.u32;
	s9 =	simm.s32 $0x2  }
0x3: {  	s15 =	simm.s32 $0x0;
	p0 =	por $0x0, $0x0;
	s10 =	simm.s32 $0x100  }
0x4: {  	s16 =	simm.s32 $0x0;
	s17 =	simm.s32 $0x0;
	s11 =	simm.s32 $0x0  }
0x5: {  	s14 =	simm.s32 $0x0;
	s4 =	sshll.u32 s0, $0x4;
	s0 =	rddreg [dreg:$0x2]  }
0x6: {  	_ =	strace $0x80000047;
	s5 =	sand.u32 $0x10, s4;
	s4 =	sand.u32 $0x1, s1  }
.Ltmp0:
0x7: {  	s6 =	sor.u32 s1, s5;
	s7 =	ssub.s32 $0x2, s4;
	(pc) =	sbr.rel .LBB1_1-.Ltmp0, $4  }
0x8: {  	s5 =	simm.s32 $0x1;
	s8 =	sshrl.u32 s7, $0x1;
	s7 =	sand.u32 $0x1, s7  }
0x9: {  	s13 =	smov.u32 s4;
	[sflag:s5] =	ssyncpa.u1 $0x0;
	s7 =	sadd.s32 s7, s8  }
0xa: {  	s6 =	sshrl.u32 s6, $0x1;
	[sflag:s9] =	ssyncpa.u1 $0x0;
	s7 =	sshll.u32 s7, $0x5  }
0xb: {  	s9 =	simm.s32 $0x80;
	s12 =	smov.u32 s6;
	s8 =	sor.u32 $0x1, s7  }
.LBB1_4:
0xc: {  	_ =	sdelay $0x3  }
0xd: {  	[tilespmem:v0+s19+$0xFFFFFFA0 ss:$0x1] =	vst.idx.msk $0xffff, v6  }
0xe: {  	v56 =	vld.idx.msk [tilespmem:v1+s20+$0x30 ss:$0x1], $0xffff;
	[tilespmem:v0+s19+$0xFFFFFFB0 ss:$0x1] =	vst.idx.msk $0xffff, v4  }
0xf: {  	v57 =	vld.idx.msk [tilespmem:v1+s20+$0xFFFFFFC0 ss:$0x1], $0xffff;
	[tilespmem:v0+s19+$0xFFFFFFC0 ss:$0x1] =	vst.idx.msk $0xffff, v2  }
0x10: {  	v58 =	vld.idx.msk [tilespmem:v1+s20+$0xFFFFFFD0 ss:$0x1], $0xffff;
	[tilespmem:v0+s19+$0xFFFFFFD0 ss:$0x1] =	vst.idx.msk $0xffff, v3  }
0x11: {  	v59 =	vld.idx.msk [tilespmem:v1+s20+$0xFFFFFFE0 ss:$0x1], $0xffff;
	[tilespmem:v0+s19+$0xFFFFFFE0 ss:$0x1] =	vst.idx.msk $0xffff, v5  }
0x12: {  	v60 =	vld.idx.msk [tilespmem:v1+s20+$0xFFFFFFF0 ss:$0x1], $0xffff;
	[tilespmem:v0+s19+$0xFFFFFFF0 ss:$0x1] =	vst.idx.msk $0xffff, v7  }
0x13: {  	v61 =	vld.idx.msk [tilespmem:v1+s20+$0x0 ss:$0x1], $0xffff;
	[tilespmem:v0+s20+$0x0 ss:$0x1] =	vst.idx.msk $0xffff, v56  }
0x14: {  	v62 =	vld.idx.msk [tilespmem:v1+s20+$0x10 ss:$0x1], $0xffff;
	[tilespmem:v0+s20+$0xFFFFFF90 ss:$0x1] =	vst.idx.msk $0xffff, v57  }
0x15: {  	v63 =	vld.idx.msk [tilespmem:v1+s20+$0x20 ss:$0x1], $0xffff;
	[tilespmem:v0+s20+$0xFFFFFFA0 ss:$0x1] =	vst.idx.msk $0xffff, v58  }
0x16: {  	[tilespmem:v0+s20+$0xFFFFFFB0 ss:$0x1] =	vst.idx.msk $0xffff, v59  }
0x17: {  	s16 =	sshll.u32 s16, $0x11;
	s17 =	sshll.u32 s17, $0x4;
	[tilespmem:v0+s20+$0xFFFFFFC0 ss:$0x1] =	vst.idx.msk $0xffff, v60  }
0x18: {  	s17 =	sand.u32 $0x10, s17;
	s16 =	sadd.s32 s3, s16;
	[tilespmem:v0+s20+$0xFFFFFFD0 ss:$0x1] =	vst.idx.msk $0xffff, v61  }
0x19: {  	s15 =	sshll.u32 s15, $0x5;
	s16 =	sadd.s32 s17, s16;
	[tilespmem:v0+s20+$0xFFFFFFE0 ss:$0x1] =	vst.idx.msk $0xffff, v62  }
0x1a: {  	s15 =	sadd.s32 s15, s16;
	[tilespmem:v0+s20+$0xFFFFFFF0 ss:$0x1] =	vst.idx.msk $0xffff, v63  }
0x1b: {  	[hbm4b:s15+s9] =	stream.strided.scatter [tilespmem:s18], [sflag:$0x2], $0x4000, s10, s9, $0x38;
	[tilespmem:$0x10000] =	vst v63  }
.LBB1_5:
0x1c: {  	s18 =	sadd.s32 $0x80, s11  }
0x1d: {  	s15 =	sadd.s32 $0x10, s12;
	s19 =	smov.u32 s12;
	p2 =	sgt.s32 s18, $0xFFF  }
0x1e: {  	s19 =	smov.u32 @p2 s15  }
0x1f: {  	s21 =	smov.u32 s13;
	s15 =	sadd.s32 $0x2, s13;
	p3 =	sgt.s32 s19, $0xF  }
0x20: {  	s21 =	smov.u32 @p3 s15  }
0x21: {  	s18 =	simm.s32 @p2 $0x0;
	p2 =	sgt.s32 s21, $0x1  }
0x22: {  	p1 =	slt.u32 s14, $0x2;
	s21 =	smov.u32 @p2 s4;
	p2 =	sne.s32 s14, s8  }
.Ltmp1:
0x23: {  	s20 =	simm.s32 @!p1 $0x2;
	(pc) =	sbr.rel @!p2 .LBB1_6-.Ltmp1, $4  }
0x24: {  	s16 =	smov.u32 s12;
	s17 =	smov.u32 s13;
	_ =	swait.ge @!p1 [sflag:s20], $0x4000  }
0x25: {  	p0 =	por !p0, !p0;
	[sflag:s20] =	ssyncset.done @!p1 $0x0;
	s19 =	smov.u32 @p3 s6  }
0x26: {  	s15 =	smov.u32 s11;
	[sflag:s20] =	ssyncadd.s32 @!p1 $0xFFFFC000;
	s11 =	smov.u32 s18  }
0x27: {  	s12 =	smov.u32 s19;
	s14 =	sadd.s32 $0x1, s14;
	s13 =	smov.u32 s21  }
.LBB1_1:
0x28: {  	p1 =	sge.u32 s14, s7  }
0x29: {  	s31 =	sadd.s32 $0xFFFFFFFF, s14;
	s18 =	sxor.u32 @!p1 $0xFFFFFFFF, s14;
	s19 =	sshll.u32 @!p1 s13, $0x14  }
0x2a: {  	s20 =	sshll.u32 @!p1 s12, $0x10;
	s21 =	sshll.u32 @!p1 s11, $0x4;
	s19 =	sadd.s32 @!p1 s2, s19  }
0x2b: {  	s18 =	sshll.u32 @!p1 s18, $0xE;
	s21 =	sand.u32 @!p1 $0xFFF0, s21;
	s19 =	sadd.s32 @!p1 s20, s19  }
0x2c: {  	s18 =	sand.u32 @!p1 $0x4000, s18;
	s20 =	simm.s32 @!p1 $0x0;
	s19 =	sadd.s32 @!p1 s21, s19  }
0x2d: {  	[tilespmem:s18], [sflag:$0x1] =	stream.linear.gather @!p1 [hbm4b:s19+s20], $0x4000, $0x38;
	[tilespmem:$0x10000] =	vst v63  }
0x2e: {  	p1 =	sge.u32 s31, s7  }
.Ltmp2:
0x2f: {  	_ = 	snop;
	(pc) =	sbr.rel @p1 .LBB1_5-.Ltmp2, $1  }
0x30: {  	_ =	sdelay $0x3  }
0x31: {  	s18 =	simm.s32 $0x1  }
0x32: {  	s18 =	simm.s32 @!p0 $0x0  }
0x33: {  	s18 =	sshll.u32 s18, $0xE  }
0x34: {  	s19 =	sor.u32 $0x40, s18  }
0x35: {  	v1 =	vmov s19;
	_ =	sdelay $0x1  }
0x36: {  	_ =	swait.ge [sflag:s5], $0x4000  }
0x37: {  	[sflag:s5] =	ssyncset.done $0x0  }
0x38: {  	[sflag:s5] =	ssyncadd.s32 $0xFFFFC000;
	s19 =	simm.s32 $0x0  }
0x39: {  	s18 =	sor.u32 $0x8070, s18;
	v7 =	vld.idx.msk [tilespmem:v1+s19+$0x30 ss:$0x1], $0xffff  }
0x3a: {  	v0 =	vmov s18;
	v8 =	vld.idx.msk [tilespmem:v1+s19+$0xFFFFFFC0 ss:$0x1], $0xffff  }
0x3b: {  	v6 =	vld.idx.msk [tilespmem:v1+s19+$0xFFFFFFD0 ss:$0x1], $0xffff  }
0x3c: {  	v4 =	vld.idx.msk [tilespmem:v1+s19+$0xFFFFFFE0 ss:$0x1], $0xffff  }
0x3d: {  	v2 =	vld.idx.msk [tilespmem:v1+s19+$0xFFFFFFF0 ss:$0x1], $0xffff  }
0x3e: {  	s31 =	sshll.u32 s14, $0xE;
	v3 =	vld.idx.msk [tilespmem:v1+s19+$0x0 ss:$0x1], $0xffff  }
0x3f: {  	s18 =	sand.u32 $0x4000, s31;
	v5 =	vld.idx.msk [tilespmem:v1+s19+$0x10 ss:$0x1], $0xffff;
	[tilespmem:v0+s19+$0x0 ss:$0x1] =	vst.idx.msk $0xffff, v7  }
0x40: {  	s20 =	simm.s32 $0x80;
	s21 =	simm.s32 $0x400;
	s18 =	sor.u32 $0x8000, s18;
	[tilespmem:v0+s19+$0xFFFFFF90 ss:$0x1] =	vst.idx.msk $0xffff, v8;
	v7 =	vld.idx.msk [tilespmem:v1+s19+$0x20 ss:$0x1], $0xffff  }
.LBB1_3:
0x41: {  	p1 =	sne.s32 s21, $0xFE00;
	v8 =	vld.idx.msk [tilespmem:v1+s20+$0x30 ss:$0x1], $0xffff;
	[tilespmem:v0+s19+$0xFFFFFFA0 ss:$0x1] =	vst.idx.msk $0xffff, v6  }
0x42: {  	v9 =	vld.idx.msk [tilespmem:v1+s20+$0xFFFFFFC0 ss:$0x1], $0xffff;
	[tilespmem:v0+s19+$0xFFFFFFB0 ss:$0x1] =	vst.idx.msk $0xffff, v4  }
0x43: {  	v6 =	vld.idx.msk [tilespmem:v1+s20+$0xFFFFFFD0 ss:$0x1], $0xffff;
	[tilespmem:v0+s19+$0xFFFFFFC0 ss:$0x1] =	vst.idx.msk $0xffff, v2  }
.Ltmp3:
0x44: {  	v4 =	vld.idx.msk [tilespmem:v1+s20+$0xFFFFFFE0 ss:$0x1], $0xffff;
	[tilespmem:v0+s19+$0xFFFFFFD0 ss:$0x1] =	vst.idx.msk $0xffff, v3;
	(pc) =	sbr.rel @p1 .LBB1_3-.Ltmp3, $4  }
0x45: {  	v2 =	vld.idx.msk [tilespmem:v1+s20+$0xFFFFFFF0 ss:$0x1], $0xffff;
	[tilespmem:v0+s19+$0xFFFFFFE0 ss:$0x1] =	vst.idx.msk $0xffff, v5  }
0x46: {  	v3 =	vld.idx.msk [tilespmem:v1+s20+$0x0 ss:$0x1], $0xffff;
	[tilespmem:v0+s19+$0xFFFFFFF0 ss:$0x1] =	vst.idx.msk $0xffff, v7;
	s19 =	smov.u32 s20  }
0x47: {  	v5 =	vld.idx.msk [tilespmem:v1+s19+$0x10 ss:$0x1], $0xffff;
	[tilespmem:v0+s19+$0x0 ss:$0x1] =	vst.idx.msk $0xffff, v8  }
0x48: {  	s20 =	sshra.s32 s21, $0x2;
	s21 =	sadd.s32 $0x200, s21;
	[tilespmem:v0+s19+$0xFFFFFF90 ss:$0x1] =	vst.idx.msk $0xffff, v9;
	v7 =	vld.idx.msk [tilespmem:v1+s19+$0x20 ss:$0x1], $0xffff  }
.Ltmp4:
0x49: {  	_ = 	snop;
	(pc) =	sbr.rel .LBB1_4-.Ltmp4, $1  }
0x4a: {  	_ =	sdelay $0x3  }
.LBB1_6:
0x4b: {  	_ =	sfence.sel $0x180000  }
0x4c: {  	s2 =	simm.s32 $0x1;
	[bflag:$0x0] =	sbarrier.arrive $0xFFFF  }
0x4d: {  	s31 =	simm.s32 $0x2;
	[sflag:s2] =	ssyncpa.u1 $0x1  }
0x4e: {  	[sflag:s31] =	ssyncpa.u1 $0x1  }
0x4f: {  	p0 =	sne.s32 s1, $0x0;
	_ =	strace $0x90000047  }
0x50: {  	s0 =	sadd.s32 @!p0 $0x100000, s0;
	[bflag:$0x2] =	sbarrier.arrive $0xFFFF  }
0x51: {  	[sflag:s0] =	ssyncadd.tile.s32 @!p0 $0x1;
	_ =	shalt  }
.Lfunc_end1:
_tile_overlayer_lowered:
.L_overlay_start_2:
0x52: {  	(tag) =	ssettag $0x2  }
0x53: {  	s0 =	rddreg [dreg:$0x0];
	s2 =	stileid.u32  }
0x54: {  	s1 =	rddreg [dreg:$0x1];
	p0 =	sne.s32 s2, $0x0  }
0x55: {  	s3 =	rddreg [dreg:$0x2];
	[bflag:$0x3] =	sbarrier.arrive $0xFFFF;
	s2 =	simm.s32 @!p0 $0x1C01  }
0x56: {  	[timem:s3], [sflag:s2] =	dma.local @!p0 [hbm:s0], s1  }
0x57: {  	s0 =	simm.s32 @!p0 $0x1  }
0x58: {  	_ =	swait.ge @!p0 [sflag:s0], s1  }
0x59: {  	s1 =	ssub.s32 @!p0 $0x0, s1;
	[sflag:s0] =	ssyncset.done @!p0 $0x0  }
0x5a: {  	[sflag:s0] =	ssyncadd.s32 @!p0 s1  }
0x5b: {  	[bflag:$0x3] =	sbarrier.arrive $0xFFFF  }
0x5c: {  	_ =	shalt  }

// kernel: sparse-core-data-format-call.cloned.1.call-start
scs
called_computation_lowered:
.L_overlay_start_0:
0x0: {  	s2 =	sld [smem:$0x3FD9]  }
0x1: {  	s3 =	sld [smem:$0x3FFE];
	_ =	sdelay $0x1  }
0x2: {  	s1 =	srdreg.scid  }
0x3: {  	s0 =	sand.u32 $0x1, s1  }
0x4: {  	s15 =	sshll.u32 s0, $0xA;
	s2 =	sadd.s32 s3, s2  }
0x5: {  	s2 =	sadd.s32 s2, s15  }
0x6: {  	[smem:$0x3FC7] =	sst s2  }
0x7: {  	_ = 	snop  }
0x8: {  	s2 =	sld [smem:$0x3FD0];
	_ =	sdelay $0x2  }
0x9: {  	s16 =	simm.s32 $0xB;
	s4 =	simm.s32 $0x10  }
0xa: {  	[smem:s4], [sflag:s16] =	dma.local [hbm:s2], $0x1  }
0xb: {  	_ =	swait.eq [sflag:s16], $0x1  }
0xc: {  	[sflag:s16] =	ssyncset.done $0x0  }
0xd: {  	[sflag:s16] =	ssyncadd.s32 $0xFFFFFFFF  }
0xe: {  	s17 =	sld [smem:$0x11];
	(tm) =	ssettm $0x1  }
0xf: {  	s18 =	sld [smem:$0x3FFB];
	_ =	sdelay $0x3  }
0x10: {  	_ =	strace s18  }
0x11: {  	s3 =	sld [smem:$0x3FFC];
	_ =	sdelay $0x3  }
0x12: {  	_ =	strace s3  }
0x13: {  	s3 =	sld [smem:$0x3FFD];
	_ =	sdelay $0x3  }
0x14: {  	_ =	strace s3  }
0x15: {  	_ =	strace $0x8FFFFFFF  }
0x16: {  	s19 =	sld [smem:$0x3FDB];
	_ =	sdelay $0x1  }
0x17: {  	s20 =	simm.s32 $_scs_section_size  }
0x18: {  	s5 =	simm.s32 $_size__tile_overlayer_lowered;
	s6 =	simm.s32 $_tile_overlayer_lowered  }
0x19: {  	s23 =	simm.s32 $0x1BFF;
	s22 =	sshll.u32 s6, $0x1;
	s3 =	sadd.s32 s20, s19  }
0x1a: {  	s7 =	simm.s32 $0x0;
	s21 =	sshll.u32 s5, $0x1;
	s5 =	sadd.s32 s22, s3  }
0x1b: {  	[timem:s7], [sflag:s23] =	dma.local [hbm:s5], s21  }
0x1c: {  	_ =	swait.ge [sflag:s23], s21  }
0x1d: {  	s4 =	ssub.s32 $0x0, s21;
	[sflag:s23] =	ssyncset.done $0x0  }
0x1e: {  	[sflag:s23] =	ssyncadd.s32 s4;
	_ =	sdelay $0x1  }
0x1f: {  	s24 =	simm.s32 $0x1B8B  }
0x20: {  	_ =	swait.ge [sflag:s24], $0x1  }
0x21: {  	[sflag:s24] =	ssyncset.done $0x0  }
0x22: {  	s26 =	simm.s32 $0x1B8E;
	s25 =	sld [smem:$0x3FFE];
	[sflag:s24] =	ssyncadd.s32 $0xFFFFFFFF  }
0x23: {  	s27 =	simm.s32 $execute0_lowered;
	[smem:$0x3FD2] =	sst s26  }
0x24: {  	s5 =	sshll.u32 s27, $0x1;
	_ =	strace $0x80000049;
	[dreg:$0x1] =	wrdreg $0xFFFFFFFF  }
0x25: {  	s28 =	simm.s32 $_size_execute0_lowered;
	s3 =	sadd.s32 s3, s5;
	[dreg:$0x0] =	wrdreg $0x0  }
0x26: {  	s5 =	sshll.u32 s28, $0x1;
	[dreg:$0x2] =	wrdreg s3  }
0x27: {  	[dreg:$0x3] =	wrdreg s5  }
0x28: {  	[dreg:$0x4] =	wrdreg $0xC0  }
0x29: {  	_ =	task [dreg:s7], $0x5FFFF  }
0x2a: {  	[dreg:$0x1] =	wrdreg $0xFFFFFFFF  }
0x2b: {  	[dreg:$0x0] =	wrdreg $0x60  }
0x2c: {  	[dreg:$0x2] =	wrdreg s25  }
0x2d: {  	[dreg:$0x3] =	wrdreg s17  }
0x2e: {  	[dreg:$0x4] =	wrdreg $0x9  }
0x2f: {  	_ =	task.clear_ibuf [dreg:s7], $0x5FFFF;
	_ =	strace $0x90000049  }
0x30: {  	s29 =	simm.s32 $0x9;
	_ =	strace $0x8000004B  }
0x31: {  	_ =	swait.ge [sflag:s29], $0x1  }
0x32: {  	[sflag:s29] =	ssyncadd.s32 $0xFFFFFFFF  }
0x33: {  	_ =	strace $0x9000004B  }
0x34: {  	_ =	sfence  }
0x35: {  	s30 =	sld [smem:$0x0];
	_ =	sdelay $0x2  }
0x36: {  	s31 =	sshll.u32 s1, $0xD;
	s1 =	sshrl.u32 s1, $0x2  }
0x37: {  	s3 =	sand.u32 $0x4000, s31;
	s1 =	sadd.s32 s1, s30  }
0x38: {  	s0 =	sor.u32 s3, s0;
	s1 =	sshll.u32 s1, $0x11  }
0x39: {  	s0 =	sor.u32 s1, s0  }
0x3a: {  	s0 =	sadd.s32 $0x8F2B, s0  }
0x3b: {  	[sflag:s0] =	ssyncadd.remote.s32 $0x1  }
0x3c: {  	_ =	sfence.sel $0xFFFF  }
0x3d: {  	[dreg:$0x0] =	wrdreg $0xFFFFFFFF;
	(pc) =	sbr.abs _section_cstart, $3  }
0x3e: {  	[dreg:$0x1] =	wrdreg $0xFFFFFFFF  }
0x3f: {  	_ =	task.clear_ibuf [dreg:s7], $0x2FFFF;
	_ =	strace $0x9FFFFFFF  }
0x40: {  	(tm) =	ssettm $0x7FFFFFFF  }
0x41: {  	_ =	shalt  }
tec
execute0_lowered:
.L_overlay_start_1:
0x0: {  	(tag) =	ssettag $0x1  }
0x1: {  	s3 =	rddreg [dreg:$0x0]  }
0x2: {  	s0 =	srdreg.scid;
	s1 =	rddreg [dreg:$0x1]  }
0x3: {  	s5 =	simm.s32 $0x1;
	s7 =	simm.s32 $0x2;
	s13 =	simm.s32 $0x0  }
0x4: {  	s8 =	simm.s32 $0x2000;
	s9 =	simm.s32 $0x800000;
	s0 =	sshll.u32 s0, $0x6  }
0x5: {  	s14 =	simm.s32 $0x0;
	s11 =	stileid.u32;
	s2 =	sand.u32 $0x40, s0  }
.Ltmp0:
0x6: {  	s12 =	simm.s32 $0x0;
	s6 =	ssub.s32 $0x1000, s2;
	(pc) =	sbr.rel .LBB1_1-.Ltmp0, $4  }
0x7: {  	s4 =	sadd.s32 $0x1800, s3;
	s0 =	rddreg [dreg:$0x2];
	s31 =	sshrl.u32 s6, $0x6  }
0x8: {  	_ =	strace $0x8000004A;
	s6 =	sshrl.u32 s6, $0x7;
	s3 =	sand.u32 $0x1, s31  }
0x9: {  	[sflag:s5] =	ssyncpa.u1 $0x0;
	s10 =	smov.u32 s2;
	s6 =	sadd.s32 s6, s3  }
0xa: {  	[sflag:s7] =	ssyncpa.u1 $0x0;
	s3 =	stileid.u32;
	s7 =	sadd.s32 $0x1, s6  }
.LBB1_7:
0xb: {  	s15 =	sadd.s32 $0x80, s10  }
0xc: {  	s13 =	sadd.s32 $0x10, s11;
	s17 =	smov.u32 s11;
	p1 =	sgt.s32 s15, $0xFFF  }
0xd: {  	s17 =	smov.u32 @p1 s13  }
0xe: {  	s15 =	smov.u32 @p1 s2;
	p1 =	sgt.s32 s17, $0xF  }
0xf: {  	s17 =	smov.u32 @p1 s3;
	p1 =	sne.s32 s12, s7  }
.Ltmp1:
0x10: {  	p0 =	slt.u32 s12, $0x2;
	(pc) =	sbr.rel @!p1 .LBB1_8-.Ltmp1, $4  }
0x11: {  	s16 =	simm.s32 @!p0 $0x2  }
0x12: {  	s14 =	smov.u32 s11;
	_ =	swait.ge @!p0 [sflag:s16], $0x4000  }
0x13: {  	s13 =	smov.u32 s10;
	[sflag:s16] =	ssyncset.done @!p0 $0x0;
	s10 =	smov.u32 s15  }
0x14: {  	s12 =	sadd.s32 $0x1, s12;
	[sflag:s16] =	ssyncadd.s32 @!p0 $0xFFFFC000;
	s11 =	smov.u32 s17  }
.LBB1_1:
0x15: {  	p0 =	sge.u32 s12, s6  }
0x16: {  	s31 =	sadd.s32 $0xFFFFFFFF, s12;
	s15 =	sxor.u32 @!p0 $0xFFFFFFFF, s12;
	s16 =	sshll.u32 @!p0 s11, $0x11  }
0x17: {  	s17 =	sshll.u32 @!p0 s10, $0x5;
	s15 =	sshll.u32 @!p0 s15, $0xE;
	s16 =	sadd.s32 @!p0 s4, s16  }
0x18: {  	s15 =	sand.u32 @!p0 $0x4000, s15;
	s16 =	sadd.s32 @!p0 s17, s16;
	s17 =	simm.s32 @!p0 $0x0  }
0x19: {  	[tilespmem:s15], [sflag:$0x1] =	stream.linear.gather @!p0 [hbm4b:s16+s17], $0x4000, $0x38;
	[tilespmem:$0x10000] =	vst v63  }
0x1a: {  	p0 =	sge.u32 s31, s6  }
.Ltmp2:
0x1b: {  	_ = 	snop;
	(pc) =	sbr.rel @p0 .LBB1_7-.Ltmp2, $1  }
0x1c: {  	_ =	sdelay $0x3  }
0x1d: {  	_ =	swait.ge [sflag:s5], $0x4000;
	s15 =	sshll.u32 s12, $0xE  }
0x1e: {  	[sflag:s5] =	ssyncset.done $0x0;
	s16 =	sand.u32 $0x4000, s15  }
0x1f: {  	s17 =	simm.s32 $0x0;
	[sflag:s5] =	ssyncadd.s32 $0xFFFFC000;
	s15 =	sor.u32 $0x8000, s16  }
.LBB1_3:
0x20: {  	s18 =	sshll.u32 s17, $0x8  }
0x21: {  	s18 =	sand.u32 $0x3FFFFF00, s18  }
0x22: {  	s19 =	sshll.u32 s17, $0x7;
	s18 =	sadd.s32 s18, s16  }
0x23: {  	s19 =	sand.u32 $0x3FFFFF80, s19;
	v0 =	vmov s18  }
0x24: {  	s19 =	sadd.s32 s19, s15  }
0x25: {  	p0 =	por $0x1, $0x1;
	v1 =	vmov s19;
	s18 =	simm.s32 $0x0  }
.LBB1_4:
0x26: {  	s19 =	sshll.u32 s18, $0x7  }
0x27: {  	s19 =	sand.u32 $0x3FFFFF80, s19  }
0x28: {  	v2 =	vld.idx.msk [tilespmem:v0+s19+$0x0 ss:$0x1], $0xffff  }
0x29: {  	v3 =	vld.idx.msk [tilespmem:v0+s19+$0x10 ss:$0x1], $0xffff  }
0x2a: {  	v4 =	vld.idx.msk [tilespmem:v0+s19+$0x20 ss:$0x1], $0xffff  }
0x2b: {  	s31 =	sshll.u32 s18, $0xD;
	v5 =	vld.idx.msk [tilespmem:v0+s19+$0x30 ss:$0x1], $0xffff  }
0x2c: {  	s18 =	sand.u32 $0x3FFFE000, s31;
	v6 =	vld.idx.msk [tilespmem:v0+s19+$0x40 ss:$0x1], $0xffff  }
0x2d: {  	v63 =	vld.idx.msk [tilespmem:v0+s19+$0x70 ss:$0x1], $0xffff;
	[tilespmem:v1+s18+$0x0 ss:$0x1] =	vst.idx.msk $0xffff, v2  }
0x2e: {  	v2 =	vld.idx.msk [tilespmem:v0+s19+$0x50 ss:$0x1], $0xffff;
	[tilespmem:v1+s18+$0x10 ss:$0x1] =	vst.idx.msk $0xffff, v3  }
0x2f: {  	p1 =	por p0, p0;
	v3 =	vld.idx.msk [tilespmem:v0+s19+$0x60 ss:$0x1], $0xffff;
	[tilespmem:v1+s18+$0x20 ss:$0x1] =	vst.idx.msk $0xffff, v4  }
.Ltmp3:
0x30: {  	[tilespmem:v1+s18+$0x30 ss:$0x1] =	vst.idx.msk $0xffff, v5;
	(pc) =	sbr.rel @p1 .LBB1_4-.Ltmp3, $4  }
0x31: {  	[tilespmem:v1+s18+$0x40 ss:$0x1] =	vst.idx.msk $0xffff, v6  }
0x32: {  	[tilespmem:v1+s18+$0x70 ss:$0x1] =	vst.idx.msk $0xffff, v63  }
0x33: {  	[tilespmem:v1+s18+$0x50 ss:$0x1] =	vst.idx.msk $0xffff, v2  }
0x34: {  	p0 =	por $0x0, $0x0;
	[tilespmem:v1+s18+$0x60 ss:$0x1] =	vst.idx.msk $0xffff, v3;
	s18 =	simm.s32 $0x1  }
0x35: {  	s17 =	sadd.s32 $0x1, s17  }
0x36: {  	p0 =	sne.s32 s17, $0x40  }
.Ltmp4:
0x37: {  	_ = 	snop;
	(pc) =	sbr.rel @p0 .LBB1_3-.Ltmp4, $1  }
0x38: {  	_ =	sdelay $0x3  }
.Ltmp5:
0x39: {  	(pc) =	sbr.rel .LBB1_7-.Ltmp5, $4  }
0x3a: {  	s14 =	sshll.u32 s14, $0x10;
	s13 =	sshll.u32 s13, $0x4  }
0x3b: {  	s13 =	sand.u32 $0xFFF0, s13;
	s14 =	sadd.s32 s1, s14  }
0x3c: {  	s13 =	sadd.s32 s13, s14  }
0x3d: {  	[hbm4b:s13+s8] =	stream.strided.scatter [tilespmem:s15], [sflag:$0x2], $0x4000, s9, s8, $0x38;
	[tilespmem:$0x10000] =	vst v63  }
.LBB1_8:
0x3e: {  	_ =	sfence.sel $0x180000  }
0x3f: {  	s1 =	simm.s32 $0x1;
	[bflag:$0x0] =	sbarrier.arrive $0xFFFF  }
0x40: {  	s31 =	simm.s32 $0x2;
	[sflag:s1] =	ssyncpa.u1 $0x1  }
0x41: {  	[sflag:s31] =	ssyncpa.u1 $0x1  }
0x42: {  	p0 =	sne.s32 s3, $0x0;
	_ =	strace $0x9000004A  }
0x43: {  	s0 =	sadd.s32 @!p0 $0x100000, s0;
	[bflag:$0x2] =	sbarrier.arrive $0xFFFF  }
0x44: {  	[sflag:s0] =	ssyncadd.tile.s32 @!p0 $0x1;
	_ =	shalt  }
.Lfunc_end1:
_tile_overlayer_lowered:
.L_overlay_start_2:
0x45: {  	(tag) =	ssettag $0x2  }
0x46: {  	s0 =	rddreg [dreg:$0x0];
	s2 =	stileid.u32  }
0x47: {  	s1 =	rddreg [dreg:$0x1];
	p0 =	sne.s32 s2, $0x0  }
0x48: {  	s3 =	rddreg [dreg:$0x2];
	[bflag:$0x3] =	sbarrier.arrive $0xFFFF;
	s2 =	simm.s32 @!p0 $0x1C01  }
0x49: {  	[timem:s3], [sflag:s2] =	dma.local @!p0 [hbm:s0], s1  }
0x4a: {  	s0 =	simm.s32 @!p0 $0x1  }
0x4b: {  	_ =	swait.ge @!p0 [sflag:s0], s1  }
0x4c: {  	s1 =	ssub.s32 @!p0 $0x0, s1;
	[sflag:s0] =	ssyncset.done @!p0 $0x0  }
0x4d: {  	[sflag:s0] =	ssyncadd.s32 @!p0 s1  }
0x4e: {  	[bflag:$0x3] =	sbarrier.arrive $0xFFFF  }
0x4f: {  	_ =	shalt  }

</sc_bundles>
